<compile_context>
chip_gen: v7x
topology: tpu7x:2x2x1
jax: 0.10.2.dev20260603
libtpu: 0.0.44.dev20260713+nightly
codegen_flags: <defaults>
</compile_context>

<pallas_src>
import functools

import jax
import jax.numpy as jnp
from jax import lax
from jax.experimental import pallas as pl
from jax.experimental.pallas import tpu as pltpu
from jax.experimental.pallas import tpu_sc as plsc

N_ATOMS = 1_600_000
N_STRUCT = 100_000
ROW = 128
NW = 32
ROWS_PER_W = 392
ROWS = NW * ROWS_PER_W
BLK_ROWS = 56
N_BLKS = ROWS_PER_W // BLK_ROWS
ACC_SLICE = 6_256
N_ACC = 16 * ACC_SLICE
LANES = 16


@functools.partial(
    pl.kernel,
    out_type=jax.ShapeDtypeStruct((2 * N_ACC,), jnp.float32),
    mesh=plsc.VectorSubcoreMesh(core_axis_name="c", subcore_axis_name="s"),
    scratch_types=[
        pltpu.VMEM((BLK_ROWS, ROW), jnp.int32),
        pltpu.VMEM((BLK_ROWS, ROW), jnp.int32),
        pltpu.VMEM((BLK_ROWS, ROW), jnp.float32),
        pltpu.VMEM((128,), jnp.float32),
        pltpu.VMEM((ACC_SLICE,), jnp.float32),
        pltpu.VMEM_SHARED((N_ACC,), jnp.float32),
    ],
    compiler_params=pltpu.CompilerParams(needs_layout_passes=False),
)
def _sc_segment_sum(sp_hbm, sid_hbm, w_hbm, partial_hbm,
                    sp_buf, sid_buf, w_buf, wtab, zbuf, acc_sh):
    c = lax.axis_index("c")
    s = lax.axis_index("s")
    wid = s * 2 + c

    pltpu.sync_copy(w_hbm, wtab)

    zero16 = jnp.zeros((LANES,), jnp.float32)

    def _zero(i, carry):
        zbuf[pl.ds(i * LANES, LANES)] = zero16
        return carry

    lax.fori_loop(0, ACC_SLICE // LANES, _zero, 0)
    pltpu.sync_copy(zbuf, acc_sh.at[pl.ds(s * ACC_SLICE, ACC_SLICE)])
    plsc.subcore_barrier()

    row0 = wid * ROWS_PER_W

    def _block(b, carry):
        r0 = row0 + b * BLK_ROWS
        pltpu.sync_copy(sp_hbm.at[pl.ds(r0, BLK_ROWS)], sp_buf)
        pltpu.sync_copy(sid_hbm.at[pl.ds(r0, BLK_ROWS)], sid_buf)

        def _row(r, inner):
            for g in range(ROW // LANES):
                spv = sp_buf[r, pl.ds(g * LANES, LANES)]
                w_buf[r, pl.ds(g * LANES, LANES)] = plsc.load_gather(
                    wtab, [spv])
            pltpu.sync_copy(w_buf.at[r], acc_sh.at[sid_buf.at[r]], add=True)
            return inner

        lax.fori_loop(0, BLK_ROWS, _row, 0)
        return carry

    lax.fori_loop(0, N_BLKS, _block, 0)
    plsc.subcore_barrier()

    pltpu.sync_copy(acc_sh.at[pl.ds(s * ACC_SLICE, ACC_SLICE)], zbuf)
    pltpu.sync_copy(zbuf,
                    partial_hbm.at[pl.ds(c * N_ACC + s * ACC_SLICE,
                                         ACC_SLICE)])


def _combine_tc(t_ref, p_ref, o_ref):
    o_ref[...] = t_ref[...] - p_ref[0] - p_ref[1]


def kernel(species, structure_ids, targets, weights):
    pad = ROWS * ROW - N_ATOMS
    sp2 = jnp.concatenate(
        [species.astype(jnp.int32), jnp.zeros((pad,), jnp.int32)]
    ).reshape(ROWS, ROW)
    sid2 = jnp.concatenate(
        [structure_ids.astype(jnp.int32),
         jnp.full((pad,), N_STRUCT, jnp.int32)]
    ).reshape(ROWS, ROW)
    wtab = jnp.zeros((128,), jnp.float32).at[: weights.shape[0]].set(
        weights[:, 0])
    partial = _sc_segment_sum(sp2, sid2, wtab)

    t_pad = jnp.zeros((N_ACC,), jnp.float32).at[:N_STRUCT].set(
        targets[:, 0]).reshape(N_ACC // 128, 128)
    p3 = partial.reshape(2, N_ACC // 128, 128)
    out = pl.pallas_call(
        _combine_tc,
        out_shape=jax.ShapeDtypeStruct((N_ACC // 128, 128), jnp.float32),
    )(t_pad, p3)
    return out.reshape(-1)[:N_STRUCT].reshape(N_STRUCT, 1)

# --- scband reference (transcript-rebuilt; emitter-appended) ---
"""Pipeline reference for scband-composition-transformer-54554674593912 (READ-ONLY COPY).

The authoritative reference and input builder live on the scoring server;
editing this copy changes nothing except your own understanding.
"""

import jax, jax.numpy as jnp
import numpy as np


def setup_inputs(seed: int = 0) -> dict:
    key = jax.random.key(seed)
    k1, k2, k3, k4 = jax.random.split(key, 4)
    n_atoms = 1600000
    n_structures = 100000
    n_species = 100
    species = jax.random.randint(k1, (n_atoms,), 0, n_species, dtype=jnp.int64 if jax.config.jax_enable_x64 else jnp.int32)
    structure_ids = jnp.sort(jax.random.randint(k2, (n_atoms,), 0, n_structures, dtype=jnp.int64 if jax.config.jax_enable_x64 else jnp.int32))
    targets = jax.random.normal(k3, (n_structures, 1), dtype=jnp.float32)
    weights = jax.random.normal(k4, (n_species, 1), dtype=jnp.float32)
    return {"species": species, "structure_ids": structure_ids, "targets": targets, "weights": weights}


def reference(species, structure_ids, targets, weights):
    # CompositionTransformer.transform / forward:
    # 1) _compute_feat: AtomicComposition per atom, then sum_over_samples('center')
    #    == per-structure counts of each species: scatter-add of one-hot(species)
    #    segmented by structure id. bias=False so no ones column appended.
    n_structures = targets.shape[0]
    n_species = weights.shape[0]
    feats = jnp.zeros((n_structures, n_species), dtype=jnp.float32).at[structure_ids, species].add(1.0)
    # 2) pred = feats @ weights ; target_values -= pred
    pred = feats @ weights
    out = targets - pred
    return out

if __name__ == "__main__":
    import jax
    _d = setup_inputs()
    print(jax.jit(kernel)(*tuple(_d.values())))

</pallas_src>

<mosaic_0001>
#map = affine_map<(d0, d1) -> (0, 0)>
#map1 = affine_map<(d0, d1) -> (0)>
module attributes {stable_mosaic.version = 14 : i64} {
  func.func @_sc_segment_sum(%arg0: i32, %arg1: i32, %arg2: memref<12544x128xi32, #tpu.memory_space<hbm>>, %arg3: memref<12544x128xi32, #tpu.memory_space<hbm>>, %arg4: memref<128xf32, #tpu.memory_space<hbm>>, %arg5: memref<200192xf32, #tpu.memory_space<hbm>>, %arg6: memref<56x128xi32, #tpu.memory_space<vmem>>, %arg7: memref<56x128xi32, #tpu.memory_space<vmem>>, %arg8: memref<56x128xf32, #tpu.memory_space<vmem>>, %arg9: memref<128xf32, #tpu.memory_space<vmem>>, %arg10: memref<6256xf32, #tpu.memory_space<vmem>>, %arg11: memref<100096xf32, #tpu.memory_space<vmem_shared>>) attributes {dimension_semantics = [#tpu.dimension_semantics<core_parallel>, #tpu.dimension_semantics<subcore_parallel>], iteration_bounds = array<i64: 2, 16>, scalar_prefetch = 0 : i64, scratch_operands = 6 : i64, tpu.core_type = #tpu.core_type<sc_vector_subcore>, window_params = [{transform_indices = #map}, {transform_indices = #map}, {transform_indices = #map1}, {transform_indices = #map1}]} {
    %mul3A = arith.constant 2 : i32
    %mul3A_0 = arith.muli %arg1, %mul3A : i32
    %add3A = arith.addi %mul3A_0, %arg0 : i32
    "tpu.region"() ({
      %run_scoped3A = tpu.sem_alloc : memref<!tpu.dma_semaphore, #tpu.memory_space<semaphore_mem>>
      tpu.enqueue_dma source(%arg4 : memref<128xf32, #tpu.memory_space<hbm>>) target(%arg9 : memref<128xf32, #tpu.memory_space<vmem>>) target_semaphore(%run_scoped3A : memref<!tpu.dma_semaphore, #tpu.memory_space<semaphore_mem>>)
      tpu.wait_dma2 semaphore(%run_scoped3A : memref<!tpu.dma_semaphore, #tpu.memory_space<semaphore_mem>>) src(%arg4 : memref<128xf32, #tpu.memory_space<hbm>>) dst(%arg9 : memref<128xf32, #tpu.memory_space<vmem>>)
      tpu.yield
    }) : () -> ()
    %broadcast_in_dim3A = arith.constant 0.000000e+00 : f32
    %broadcast_in_dim3A_1 = vector.broadcast %broadcast_in_dim3A : f32 to vector<16xf32>
    %scan3A = arith.constant 0 : i32
    %scan3A_2 = arith.constant 0 : i32
    %scan3A_3 = arith.constant 391 : i32
    %scan3A_4 = arith.addi %scan3A_2, %scan3A_3 : i32
    %scan3A_5 = arith.constant 1 : i32
    scf.for %scan3A_25 = %scan3A_2 to %scan3A_4 step %scan3A_5  : i32 {
      %mul3A_26 = arith.constant 16 : i32
      %mul3A_27 = arith.muli %scan3A_25, %mul3A_26 : i32
      %swap3A = arith.index_cast %mul3A_27 : i32 to index
      %swap3A_28 = tpu.vector_load %arg10[%swap3A] {strides = array<i32>} : memref<6256xf32, #tpu.memory_space<vmem>>, vector<16xf32>,
      tpu.vector_store %arg10[%swap3A], %broadcast_in_dim3A_1 {strides = array<i32>} : memref<6256xf32, #tpu.memory_space<vmem>>, vector<16xf32>,
    }
    %scan3A_6 = arith.constant 391 : i32
    %mul3A_7 = arith.constant 6256 : i32
    %mul3A_8 = arith.muli %arg1, %mul3A_7 : i32
    "tpu.region"() ({
      %run_scoped3A = tpu.sem_alloc : memref<!tpu.dma_semaphore, #tpu.memory_space<semaphore_mem>>
      %dma_start3A = tpu.memref_slice %arg11[%mul3A_8] : memref<100096xf32, #tpu.memory_space<vmem_shared>> -> memref<6256xf32, #tpu.memory_space<vmem_shared>>
      %dma_start3A_25 = tpu.memref_slice %arg11[%mul3A_8] : memref<100096xf32, #tpu.memory_space<vmem_shared>> -> memref<6256xf32, #tpu.memory_space<vmem_shared>>
      tpu.enqueue_dma source(%arg10 : memref<6256xf32, #tpu.memory_space<vmem>>) target(%dma_start3A_25 : memref<6256xf32, #tpu.memory_space<vmem_shared>>) target_semaphore(%run_scoped3A : memref<!tpu.dma_semaphore, #tpu.memory_space<semaphore_mem>>)
      %dma_wait3A = tpu.memref_slice %arg11[%mul3A_8] : memref<100096xf32, #tpu.memory_space<vmem_shared>> -> memref<6256xf32, #tpu.memory_space<vmem_shared>>
      %dma_wait3A_26 = tpu.memref_slice %arg11[%mul3A_8] : memref<100096xf32, #tpu.memory_space<vmem_shared>> -> memref<6256xf32, #tpu.memory_space<vmem_shared>>
      tpu.wait_dma2 semaphore(%run_scoped3A : memref<!tpu.dma_semaphore, #tpu.memory_space<semaphore_mem>>) src(%arg10 : memref<6256xf32, #tpu.memory_space<vmem>>) dst(%dma_wait3A_26 : memref<6256xf32, #tpu.memory_space<vmem_shared>>)
      tpu.yield
    }) : () -> ()
    %barrier3A = arith.constant 0 : index
    tpu.barrier barrier_id(%barrier3A)
    %mul3A_9 = arith.constant 392 : i32
    %mul3A_10 = arith.muli %add3A, %mul3A_9 : i32
    %scan3A_11 = arith.constant 0 : i32
    %scan3A_12 = arith.constant 0 : i32
    %scan3A_13 = arith.constant 7 : i32
    %scan3A_14 = arith.addi %scan3A_12, %scan3A_13 : i32
    %scan3A_15 = arith.constant 1 : i32
    scf.for %scan3A_25 = %scan3A_12 to %scan3A_14 step %scan3A_15  : i32 {
      %mul3A_26 = arith.constant 56 : i32
      %mul3A_27 = arith.muli %scan3A_25, %mul3A_26 : i32
      %add3A_28 = arith.addi %mul3A_10, %mul3A_27 : i32
      "tpu.region"() ({
        %run_scoped3A = tpu.sem_alloc : memref<!tpu.dma_semaphore, #tpu.memory_space<semaphore_mem>>
        %dma_start3A = arith.constant 0 : i32
        %dma_start3A_35 = tpu.memref_slice %arg2[%add3A_28, %dma_start3A] : memref<12544x128xi32, #tpu.memory_space<hbm>> -> memref<56x128xi32, #tpu.memory_space<hbm>>
        %dma_start3A_36 = arith.constant 0 : i32
        %dma_start3A_37 = tpu.memref_slice %arg2[%add3A_28, %dma_start3A_36] : memref<12544x128xi32, #tpu.memory_space<hbm>> -> memref<56x128xi32, #tpu.memory_space<hbm>>
        tpu.enqueue_dma source(%dma_start3A_37 : memref<56x128xi32, #tpu.memory_space<hbm>>) target(%arg6 : memref<56x128xi32, #tpu.memory_space<vmem>>) target_semaphore(%run_scoped3A : memref<!tpu.dma_semaphore, #tpu.memory_space<semaphore_mem>>)
        %dma_wait3A = arith.constant 0 : i32
        %dma_wait3A_38 = tpu.memref_slice %arg2[%add3A_28, %dma_wait3A] : memref<12544x128xi32, #tpu.memory_space<hbm>> -> memref<56x128xi32, #tpu.memory_space<hbm>>
        %dma_wait3A_39 = arith.constant 0 : i32
        %dma_wait3A_40 = tpu.memref_slice %arg2[%add3A_28, %dma_wait3A_39] : memref<12544x128xi32, #tpu.memory_space<hbm>> -> memref<56x128xi32, #tpu.memory_space<hbm>>
        tpu.wait_dma2 semaphore(%run_scoped3A : memref<!tpu.dma_semaphore, #tpu.memory_space<semaphore_mem>>) src(%dma_wait3A_40 : memref<56x128xi32, #tpu.memory_space<hbm>>) dst(%arg6 : memref<56x128xi32, #tpu.memory_space<vmem>>)
        tpu.yield
      }) : () -> ()
      "tpu.region"() ({
        %run_scoped3A = tpu.sem_alloc : memref<!tpu.dma_semaphore, #tpu.memory_space<semaphore_mem>>
        %dma_start3A = arith.constant 0 : i32
        %dma_start3A_35 = tpu.memref_slice %arg3[%add3A_28, %dma_start3A] : memref<12544x128xi32, #tpu.memory_space<hbm>> -> memref<56x128xi32, #tpu.memory_space<hbm>>
        %dma_start3A_36 = arith.constant 0 : i32
        %dma_start3A_37 = tpu.memref_slice %arg3[%add3A_28, %dma_start3A_36] : memref<12544x128xi32, #tpu.memory_space<hbm>> -> memref<56x128xi32, #tpu.memory_space<hbm>>
        tpu.enqueue_dma source(%dma_start3A_37 : memref<56x128xi32, #tpu.memory_space<hbm>>) target(%arg7 : memref<56x128xi32, #tpu.memory_space<vmem>>) target_semaphore(%run_scoped3A : memref<!tpu.dma_semaphore, #tpu.memory_space<semaphore_mem>>)
        %dma_wait3A = arith.constant 0 : i32
        %dma_wait3A_38 = tpu.memref_slice %arg3[%add3A_28, %dma_wait3A] : memref<12544x128xi32, #tpu.memory_space<hbm>> -> memref<56x128xi32, #tpu.memory_space<hbm>>
        %dma_wait3A_39 = arith.constant 0 : i32
        %dma_wait3A_40 = tpu.memref_slice %arg3[%add3A_28, %dma_wait3A_39] : memref<12544x128xi32, #tpu.memory_space<hbm>> -> memref<56x128xi32, #tpu.memory_space<hbm>>
        tpu.wait_dma2 semaphore(%run_scoped3A : memref<!tpu.dma_semaphore, #tpu.memory_space<semaphore_mem>>) src(%dma_wait3A_40 : memref<56x128xi32, #tpu.memory_space<hbm>>) dst(%arg7 : memref<56x128xi32, #tpu.memory_space<vmem>>)
        tpu.yield
      }) : () -> ()
      %scan3A_29 = arith.constant 0 : i32
      %scan3A_30 = arith.constant 0 : i32
      %scan3A_31 = arith.constant 56 : i32
      %scan3A_32 = arith.addi %scan3A_30, %scan3A_31 : i32
      %scan3A_33 = arith.constant 1 : i32
      scf.for %scan3A_35 = %scan3A_30 to %scan3A_32 step %scan3A_33  : i32 {
        %get3A = arith.index_cast %scan3A_35 : i32 to index
        %get3A_36 = arith.constant 0 : index
        %get3A_37 = tpu.vector_load %arg6[%get3A, %get3A_36] {strides = array<i32>} : memref<56x128xi32, #tpu.memory_space<vmem>>, vector<16xi32>,
        %gather3A = tpu.vector_load_idx %arg9[%get3A_37] : memref<128xf32, #tpu.memory_space<vmem>>[vector<16xi32>], vector<16xf32>,
        %swap3A = arith.index_cast %scan3A_35 : i32 to index
        %swap3A_38 = arith.constant 0 : index
        %swap3A_39 = tpu.vector_load %arg8[%swap3A, %swap3A_38] {strides = array<i32>} : memref<56x128xf32, #tpu.memory_space<vmem>>, vector<16xf32>,
        tpu.vector_store %arg8[%swap3A, %swap3A_38], %gather3A {strides = array<i32>} : memref<56x128xf32, #tpu.memory_space<vmem>>, vector<16xf32>,
        %get3A_40 = arith.index_cast %scan3A_35 : i32 to index
        %get3A_41 = arith.constant 16 : index
        %get3A_42 = tpu.vector_load %arg6[%get3A_40, %get3A_41] {strides = array<i32>} : memref<56x128xi32, #tpu.memory_space<vmem>>, vector<16xi32>,
        %gather3A_43 = tpu.vector_load_idx %arg9[%get3A_42] : memref<128xf32, #tpu.memory_space<vmem>>[vector<16xi32>], vector<16xf32>,
        %swap3A_44 = arith.index_cast %scan3A_35 : i32 to index
        %swap3A_45 = arith.constant 16 : index
        %swap3A_46 = tpu.vector_load %arg8[%swap3A_44, %swap3A_45] {strides = array<i32>} : memref<56x128xf32, #tpu.memory_space<vmem>>, vector<16xf32>,
        tpu.vector_store %arg8[%swap3A_44, %swap3A_45], %gather3A_43 {strides = array<i32>} : memref<56x128xf32, #tpu.memory_space<vmem>>, vector<16xf32>,
        %get3A_47 = arith.index_cast %scan3A_35 : i32 to index
        %get3A_48 = arith.constant 32 : index
        %get3A_49 = tpu.vector_load %arg6[%get3A_47, %get3A_48] {strides = array<i32>} : memref<56x128xi32, #tpu.memory_space<vmem>>, vector<16xi32>,
        %gather3A_50 = tpu.vector_load_idx %arg9[%get3A_49] : memref<128xf32, #tpu.memory_space<vmem>>[vector<16xi32>], vector<16xf32>,
        %swap3A_51 = arith.index_cast %scan3A_35 : i32 to index
        %swap3A_52 = arith.constant 32 : index
        %swap3A_53 = tpu.vector_load %arg8[%swap3A_51, %swap3A_52] {strides = array<i32>} : memref<56x128xf32, #tpu.memory_space<vmem>>, vector<16xf32>,
        tpu.vector_store %arg8[%swap3A_51, %swap3A_52], %gather3A_50 {strides = array<i32>} : memref<56x128xf32, #tpu.memory_space<vmem>>, vector<16xf32>,
        %get3A_54 = arith.index_cast %scan3A_35 : i32 to index
        %get3A_55 = arith.constant 48 : index
        %get3A_56 = tpu.vector_load %arg6[%get3A_54, %get3A_55] {strides = array<i32>} : memref<56x128xi32, #tpu.memory_space<vmem>>, vector<16xi32>,
        %gather3A_57 = tpu.vector_load_idx %arg9[%get3A_56] : memref<128xf32, #tpu.memory_space<vmem>>[vector<16xi32>], vector<16xf32>,
        %swap3A_58 = arith.index_cast %scan3A_35 : i32 to index
        %swap3A_59 = arith.constant 48 : index
        %swap3A_60 = tpu.vector_load %arg8[%swap3A_58, %swap3A_59] {strides = array<i32>} : memref<56x128xf32, #tpu.memory_space<vmem>>, vector<16xf32>,
        tpu.vector_store %arg8[%swap3A_58, %swap3A_59], %gather3A_57 {strides = array<i32>} : memref<56x128xf32, #tpu.memory_space<vmem>>, vector<16xf32>,
        %get3A_61 = arith.index_cast %scan3A_35 : i32 to index
        %get3A_62 = arith.constant 64 : index
        %get3A_63 = tpu.vector_load %arg6[%get3A_61, %get3A_62] {strides = array<i32>} : memref<56x128xi32, #tpu.memory_space<vmem>>, vector<16xi32>,
        %gather3A_64 = tpu.vector_load_idx %arg9[%get3A_63] : memref<128xf32, #tpu.memory_space<vmem>>[vector<16xi32>], vector<16xf32>,
        %swap3A_65 = arith.index_cast %scan3A_35 : i32 to index
        %swap3A_66 = arith.constant 64 : index
        %swap3A_67 = tpu.vector_load %arg8[%swap3A_65, %swap3A_66] {strides = array<i32>} : memref<56x128xf32, #tpu.memory_space<vmem>>, vector<16xf32>,
        tpu.vector_store %arg8[%swap3A_65, %swap3A_66], %gather3A_64 {strides = array<i32>} : memref<56x128xf32, #tpu.memory_space<vmem>>, vector<16xf32>,
        %get3A_68 = arith.index_cast %scan3A_35 : i32 to index
        %get3A_69 = arith.constant 80 : index
        %get3A_70 = tpu.vector_load %arg6[%get3A_68, %get3A_69] {strides = array<i32>} : memref<56x128xi32, #tpu.memory_space<vmem>>, vector<16xi32>,
        %gather3A_71 = tpu.vector_load_idx %arg9[%get3A_70] : memref<128xf32, #tpu.memory_space<vmem>>[vector<16xi32>], vector<16xf32>,
        %swap3A_72 = arith.index_cast %scan3A_35 : i32 to index
        %swap3A_73 = arith.constant 80 : index
        %swap3A_74 = tpu.vector_load %arg8[%swap3A_72, %swap3A_73] {strides = array<i32>} : memref<56x128xf32, #tpu.memory_space<vmem>>, vector<16xf32>,
        tpu.vector_store %arg8[%swap3A_72, %swap3A_73], %gather3A_71 {strides = array<i32>} : memref<56x128xf32, #tpu.memory_space<vmem>>, vector<16xf32>,
        %get3A_75 = arith.index_cast %scan3A_35 : i32 to index
        %get3A_76 = arith.constant 96 : index
        %get3A_77 = tpu.vector_load %arg6[%get3A_75, %get3A_76] {strides = array<i32>} : memref<56x128xi32, #tpu.memory_space<vmem>>, vector<16xi32>,
        %gather3A_78 = tpu.vector_load_idx %arg9[%get3A_77] : memref<128xf32, #tpu.memory_space<vmem>>[vector<16xi32>], vector<16xf32>,
        %swap3A_79 = arith.index_cast %scan3A_35 : i32 to index
        %swap3A_80 = arith.constant 96 : index
        %swap3A_81 = tpu.vector_load %arg8[%swap3A_79, %swap3A_80] {strides = array<i32>} : memref<56x128xf32, #tpu.memory_space<vmem>>, vector<16xf32>,
        tpu.vector_store %arg8[%swap3A_79, %swap3A_80], %gather3A_78 {strides = array<i32>} : memref<56x128xf32, #tpu.memory_space<vmem>>, vector<16xf32>,
        %get3A_82 = arith.index_cast %scan3A_35 : i32 to index
        %get3A_83 = arith.constant 112 : index
        %get3A_84 = tpu.vector_load %arg6[%get3A_82, %get3A_83] {strides = array<i32>} : memref<56x128xi32, #tpu.memory_space<vmem>>, vector<16xi32>,
        %gather3A_85 = tpu.vector_load_idx %arg9[%get3A_84] : memref<128xf32, #tpu.memory_space<vmem>>[vector<16xi32>], vector<16xf32>,
        %swap3A_86 = arith.index_cast %scan3A_35 : i32 to index
        %swap3A_87 = arith.constant 112 : index
        %swap3A_88 = tpu.vector_load %arg8[%swap3A_86, %swap3A_87] {strides = array<i32>} : memref<56x128xf32, #tpu.memory_space<vmem>>, vector<16xf32>,
        tpu.vector_store %arg8[%swap3A_86, %swap3A_87], %gather3A_85 {strides = array<i32>} : memref<56x128xf32, #tpu.memory_space<vmem>>, vector<16xf32>,
        "tpu.region"() ({
          %run_scoped3A = tpu.sem_alloc : memref<!tpu.dma_semaphore, #tpu.memory_space<semaphore_mem>>
          %dma_start3A = arith.constant 0 : i32
          %dma_start3A_89 = tpu.memref_slice %arg8[%scan3A_35, %dma_start3A] : memref<56x128xf32, #tpu.memory_space<vmem>> -> memref<1x128xf32, #tpu.memory_space<vmem>>
          %dma_start3A_90 = tpu.memref_squeeze %dma_start3A_89 : memref<1x128xf32, #tpu.memory_space<vmem>> -> memref<128xf32, #tpu.memory_space<vmem>>
          %dma_start3A_91 = arith.constant 0 : i32
          %dma_start3A_92 = tpu.memref_slice %arg7[%scan3A_35, %dma_start3A_91] : memref<56x128xi32, #tpu.memory_space<vmem>> -> memref<1x128xi32, #tpu.memory_space<vmem>>
          %dma_start3A_93 = tpu.memref_squeeze %dma_start3A_92 : memref<1x128xi32, #tpu.memory_space<vmem>> -> memref<128xi32, #tpu.memory_space<vmem>>
          %dma_start3A_94 = arith.constant 0 : i32
          %dma_start3A_95 = tpu.memref_slice %arg11[%dma_start3A_94] : memref<100096xf32, #tpu.memory_space<vmem_shared>> -> memref<100096xf32, #tpu.memory_space<vmem_shared>>
          tpu.enqueue_indirect_dma source(%dma_start3A_90 : memref<128xf32, #tpu.memory_space<vmem>>) target(%dma_start3A_95 : memref<100096xf32, #tpu.memory_space<vmem_shared>>) offsets(%dma_start3A_93 : memref<128xi32, #tpu.memory_space<vmem>>) semaphore(%run_scoped3A : memref<!tpu.dma_semaphore, #tpu.memory_space<semaphore_mem>>) {add = true}
          %dma_wait3A = arith.constant 0 : i32
          %dma_wait3A_96 = tpu.memref_slice %arg8[%scan3A_35, %dma_wait3A] : memref<56x128xf32, #tpu.memory_space<vmem>> -> memref<1x128xf32, #tpu.memory_space<vmem>>
          %dma_wait3A_97 = tpu.memref_squeeze %dma_wait3A_96 : memref<1x128xf32, #tpu.memory_space<vmem>> -> memref<128xf32, #tpu.memory_space<vmem>>
          %dma_wait3A_98 = arith.constant 0 : i32
          %dma_wait3A_99 = tpu.memref_slice %arg7[%scan3A_35, %dma_wait3A_98] : memref<56x128xi32, #tpu.memory_space<vmem>> -> memref<1x128xi32, #tpu.memory_space<vmem>>
          %dma_wait3A_100 = tpu.memref_squeeze %dma_wait3A_99 : memref<1x128xi32, #tpu.memory_space<vmem>> -> memref<128xi32, #tpu.memory_space<vmem>>
          %dma_wait3A_101 = arith.constant 0 : i32
          %dma_wait3A_102 = tpu.memref_slice %arg11[%dma_wait3A_101] : memref<100096xf32, #tpu.memory_space<vmem_shared>> -> memref<100096xf32, #tpu.memory_space<vmem_shared>>
          tpu.wait_indirect_dma semaphore(%run_scoped3A : memref<!tpu.dma_semaphore, #tpu.memory_space<semaphore_mem>>) src(%dma_wait3A_97 : memref<128xf32, #tpu.memory_space<vmem>>) dst(%dma_wait3A_102 : memref<100096xf32, #tpu.memory_space<vmem_shared>>)
          tpu.yield
        }) : () -> ()
      }
      %scan3A_34 = arith.constant 56 : i32
    }
    %scan3A_16 = arith.constant 7 : i32
    %barrier3A_17 = arith.constant 0 : index
    tpu.barrier barrier_id(%barrier3A_17)
    %mul3A_18 = arith.constant 6256 : i32
    %mul3A_19 = arith.muli %arg1, %mul3A_18 : i32
    "tpu.region"() ({
      %run_scoped3A = tpu.sem_alloc : memref<!tpu.dma_semaphore, #tpu.memory_space<semaphore_mem>>
      %dma_start3A = tpu.memref_slice %arg11[%mul3A_19] : memref<100096xf32, #tpu.memory_space<vmem_shared>> -> memref<6256xf32, #tpu.memory_space<vmem_shared>>
      %dma_start3A_25 = tpu.memref_slice %arg11[%mul3A_19] : memref<100096xf32, #tpu.memory_space<vmem_shared>> -> memref<6256xf32, #tpu.memory_space<vmem_shared>>
      tpu.enqueue_dma source(%dma_start3A_25 : memref<6256xf32, #tpu.memory_space<vmem_shared>>) target(%arg10 : memref<6256xf32, #tpu.memory_space<vmem>>) target_semaphore(%run_scoped3A : memref<!tpu.dma_semaphore, #tpu.memory_space<semaphore_mem>>)
      %dma_wait3A = tpu.memref_slice %arg11[%mul3A_19] : memref<100096xf32, #tpu.memory_space<vmem_shared>> -> memref<6256xf32, #tpu.memory_space<vmem_shared>>
      %dma_wait3A_26 = tpu.memref_slice %arg11[%mul3A_19] : memref<100096xf32, #tpu.memory_space<vmem_shared>> -> memref<6256xf32, #tpu.memory_space<vmem_shared>>
      tpu.wait_dma2 semaphore(%run_scoped3A : memref<!tpu.dma_semaphore, #tpu.memory_space<semaphore_mem>>) src(%dma_wait3A_26 : memref<6256xf32, #tpu.memory_space<vmem_shared>>) dst(%arg10 : memref<6256xf32, #tpu.memory_space<vmem>>)
      tpu.yield
    }) : () -> ()
    %mul3A_20 = arith.constant 100096 : i32
    %mul3A_21 = arith.muli %arg0, %mul3A_20 : i32
    %mul3A_22 = arith.constant 6256 : i32
    %mul3A_23 = arith.muli %arg1, %mul3A_22 : i32
    %add3A_24 = arith.addi %mul3A_21, %mul3A_23 : i32
    "tpu.region"() ({
      %run_scoped3A = tpu.sem_alloc : memref<!tpu.dma_semaphore, #tpu.memory_space<semaphore_mem>>
      %dma_start3A = tpu.memref_slice %arg5[%add3A_24] : memref<200192xf32, #tpu.memory_space<hbm>> -> memref<6256xf32, #tpu.memory_space<hbm>>
      %dma_start3A_25 = tpu.memref_slice %arg5[%add3A_24] : memref<200192xf32, #tpu.memory_space<hbm>> -> memref<6256xf32, #tpu.memory_space<hbm>>
      tpu.enqueue_dma source(%arg10 : memref<6256xf32, #tpu.memory_space<vmem>>) target(%dma_start3A_25 : memref<6256xf32, #tpu.memory_space<hbm>>) target_semaphore(%run_scoped3A : memref<!tpu.dma_semaphore, #tpu.memory_space<semaphore_mem>>)
      %dma_wait3A = tpu.memref_slice %arg5[%add3A_24] : memref<200192xf32, #tpu.memory_space<hbm>> -> memref<6256xf32, #tpu.memory_space<hbm>>
      %dma_wait3A_26 = tpu.memref_slice %arg5[%add3A_24] : memref<200192xf32, #tpu.memory_space<hbm>> -> memref<6256xf32, #tpu.memory_space<hbm>>
      tpu.wait_dma2 semaphore(%run_scoped3A : memref<!tpu.dma_semaphore, #tpu.memory_space<semaphore_mem>>) src(%arg10 : memref<6256xf32, #tpu.memory_space<vmem>>) dst(%dma_wait3A_26 : memref<6256xf32, #tpu.memory_space<hbm>>)
      tpu.yield
    }) : () -> ()
    return
  }
}

module attributes {stable_mosaic.version = 14 : i64} {
  func.func @_combine_tc(%arg0: memref<782x128xf32, #tpu.memory_space<vmem>>, %arg1: memref<2x782x128xf32, #tpu.memory_space<vmem>>, %arg2: memref<782x128xf32, #tpu.memory_space<vmem>>) attributes {dimension_semantics = [], scalar_prefetch = 0 : i64, scratch_operands = 0 : i64, tpu.core_type = #tpu.core_type<tc>} {
    %get3A = arith.constant 0 : index
    %get3A_0 = arith.constant 0 : index
    %get3A_1 = vector.load %arg0[%get3A, %get3A_0] : memref<782x128xf32, #tpu.memory_space<vmem>>, vector<782x128xf32>
    %get3A_2 = arith.constant 0 : index
    %get3A_3 = arith.constant 0 : index
    %get3A_4 = arith.constant 0 : index
    %get3A_5 = vector.load %arg1[%get3A_2, %get3A_3, %get3A_4] : memref<2x782x128xf32, #tpu.memory_space<vmem>>, vector<1x782x128xf32>
    %get3A_6 = vector.shape_cast %get3A_5 : vector<1x782x128xf32> to vector<782x128xf32>
    %sub3A = arith.subf %get3A_1, %get3A_6 : vector<782x128xf32>
    %get3A_7 = arith.constant 1 : index
    %get3A_8 = arith.constant 0 : index
    %get3A_9 = arith.constant 0 : index
    %get3A_10 = vector.load %arg1[%get3A_7, %get3A_8, %get3A_9] : memref<2x782x128xf32, #tpu.memory_space<vmem>>, vector<1x782x128xf32>
    %get3A_11 = vector.shape_cast %get3A_10 : vector<1x782x128xf32> to vector<782x128xf32>
    %sub3A_12 = arith.subf %sub3A, %get3A_11 : vector<782x128xf32>
    %swap3A = arith.constant 0 : index
    %swap3A_13 = arith.constant 0 : index
    %swap3A_14 = vector.load %arg2[%swap3A, %swap3A_13] : memref<782x128xf32, #tpu.memory_space<vmem>>, vector<782x128xf32>
    tpu.vector_store %arg2[%swap3A, %swap3A_13], %sub3A_12 {strides = array<i32>} : memref<782x128xf32, #tpu.memory_space<vmem>>, vector<782x128xf32>,
    return
  }
}

</mosaic_0001>

<sc_bundles>
// kernel: kernel.4.cloned.1.call-start
scs
__scs_entry_jumppad:
0x0: {  	(pc) =	sbr.rel $0x88, $3  }
0x1: {  	(tag) =	ssettag $0x0;
	lr =	simm.s32 $0x1  }
0x2: {  	[smem:$0x3F9D] =	sst lr;
	_ =	strace $0xD0000000  }
0x3: {  	_ = 	snop  }
0x4: {  	_ = 	snop  }
0x5: {  	_ = 	snop  }
0x6: {  	_ = 	snop  }
0x7: {  	_ = 	snop  }
__scs_overlays_trampoline_lowered:
0x8: {  	[smem:$0x3FAC] =	sst s0  }
0x9: {  	[smem:$0x3FAD] =	sst s1  }
0xa: {  	[smem:$0x3FAE] =	sst s2  }
0xb: {  	[smem:$0x3FAF] =	sst s3  }
0xc: {  	[smem:$0x3FB0] =	sst s4  }
0xd: {  	[smem:$0x3FB1] =	sst s5  }
0xe: {  	[smem:$0x3FB2] =	sst s6  }
0xf: {  	[smem:$0x3FB3] =	sst s7  }
0x10: {  	[smem:$0x3FB4] =	sst s8  }
0x11: {  	[smem:$0x3FB5] =	sst s9;
	s0 =	simm.s32 @!p0 $0x0  }
0x12: {  	s1 =	sld [smem:$0x3F9B];
	s0 =	simm.s32 @p0 $0x1  }
0x13: {  	[smem:$0x3FB6] =	sst s0;
	s0 =	simm.s32 @!p1 $0x0  }
0x14: {  	s2 =	sld [smem:$0x3F9A];
	s0 =	simm.s32 @p1 $0x1  }
0x15: {  	[smem:$0x3FB7] =	sst s0;
	s0 =	simm.s32 @!p2 $0x0  }
0x16: {  	s3 =	sld [smem:$0x3FDB];
	s0 =	simm.s32 @p2 $0x1  }
0x17: {  	s4 =	simm.s32 $0x1BF5;
	[smem:$0x3FB9] =	sst s0  }
0x18: {  	s0 =	sld [smem:$0x3F9C];
	_ =	swait.ge [sflag:s4], $0x0  }
0x19: {  	s7 =	sld [smem:$0x3F9D]  }
0x1a: {  	s8 =	sadd.s32 $0xFFFFE003, lr  }
0x1b: {  	s9 =	sadd.s32 $0xFFFFFEF7, lr;
	s5 =	simm.s32 $0xFFFFFFFF;
	p2 =	slt.u32 s8, $0xFFFFF086  }
0x1c: {  	p1 =	slt.u32 s9, $0xF7A;
	s5 =	simm.s32 @!p2 $0x0  }
0x1d: {  	s5 =	simm.s32 @p1 $0x1;
	p0 =	seq.s32 s7, s2  }
0x1e: {  	s7 =	smul.u32 @!p0 $0xF7A, s2;
	p2 =	seq.s32 @!p0 s5, $0x0  }
0x1f: {  	s9 =	smul.u32 $0xF7A, s1;
	s8 =	simm.s32 @!p0 $0x1BF5;
	p2 =	por !p2, p0  }
0x20: {  	[sflag:s8] =	ssyncset.s32 @!p0 $0xFFFFF086;
	s6 =	sadd.s32 @!p0 s3, s7;
	s7 =	simm.s32 @!p0 $0x108  }
0x21: {  	s3 =	sadd.s32 s3, s9;
	s6 =	sadd.s32 @!p0 $0x88, s6;
	s7 =	simm.s32 @p2 $0x1082  }
0x22: {  	[simem:s7], [sflag:s8] =	dma.local @!p0 [hbm:s6], $0xF7A  }
0x23: {  	s9 =	sor.u32 $0xD0000000, s2;
	s6 =	simm.s32 $0x108;
	_ =	swait.ge @!p0 [sflag:s8], $0x0  }
0x24: {  	s3 =	sadd.s32 $0x88, s3;
	s6 =	simm.s32 @!p1 $0x1082;
	[sflag:s4] =	ssyncset.s32 $0xFFFFF086  }
0x25: {  	[simem:s6], [sflag:s4] =	dma.local [hbm:s3], $0xF7A  }
0x26: {  	[smem:$0x3F9D] =	sst s1;
	(tag) =	ssettag s2;
	_ =	strace s9  }
0x27: {  	s1 =	sld [smem:$0x3FAD]  }
0x28: {  	s2 =	sld [smem:$0x3FAE]  }
0x29: {  	s4 =	sld [smem:$0x3FB0]  }
0x2a: {  	p0 =	seq.s32 s5, $0x0;
	s5 =	sld [smem:$0x3FB1]  }
0x2b: {  	s6 =	sld [smem:$0x3FB2]  }
0x2c: {  	s7 =	sld [smem:$0x3FB3]  }
0x2d: {  	s3 =	simm.s32 $0x108;
	s8 =	sld [smem:$0x3FB4]  }
0x2e: {  	s3 =	simm.s32 @!p0 $0x1082;
	s9 =	sld [smem:$0x3FB5]  }
0x2f: {  	lr =	sadd.s32 s0, s3;
	s0 =	sld [smem:$0x3FAC]  }
0x30: {  	s3 =	sld [smem:$0x3FAF]  }
0x31: {  	[smem:$0x3FB8] =	sst s10  }
0x32: {  	s10 =	sld [smem:$0x3FB6];
	_ =	sdelay $0x3  }
0x33: {  	p0 =	seq.s32 s10, $0x1;
	s10 =	sld [smem:$0x3FB8];
	_ =	sdelay $0x3  }
0x34: {  	[smem:$0x3FB8] =	sst s10  }
0x35: {  	s10 =	sld [smem:$0x3FB7];
	_ =	sdelay $0x3  }
0x36: {  	p1 =	seq.s32 s10, $0x1;
	s10 =	sld [smem:$0x3FB8];
	_ =	sdelay $0x3  }
0x37: {  	[smem:$0x3FB8] =	sst s10  }
0x38: {  	s10 =	sld [smem:$0x3FB9]  }
0x39: {  	_ = 	snop;
	(pc) =	sbr.ind lr, $3  }
0x3a: {  	_ = 	snop  }
0x3b: {  	_ = 	snop  }
0x3c: {  	p2 =	seq.s32 s10, $0x1;
	s10 =	sld [smem:$0x3FB8]  }
0x3d: {  	_ =	shalt  }
0x3e: {  	_ =	shalt  }
0x3f: {  	_ =	shalt  }
0x40: {  	_ =	shalt  }
0x41: {  	_ =	shalt  }
0x42: {  	_ =	shalt  }
0x43: {  	_ =	shalt  }
0x44: {  	_ =	shalt  }
0x45: {  	_ =	shalt  }
0x46: {  	_ =	shalt  }
0x47: {  	_ =	shalt  }
0x48: {  	_ =	shalt  }
0x49: {  	_ =	shalt  }
0x4a: {  	_ =	shalt  }
0x4b: {  	_ =	shalt  }
0x4c: {  	_ =	shalt  }
0x4d: {  	_ =	shalt  }
0x4e: {  	_ =	shalt  }
0x4f: {  	_ =	shalt  }
0x50: {  	_ =	shalt  }
0x51: {  	_ =	shalt  }
0x52: {  	_ =	shalt  }
0x53: {  	_ =	shalt  }
0x54: {  	_ =	shalt  }
0x55: {  	_ =	shalt  }
0x56: {  	_ =	shalt  }
0x57: {  	_ =	shalt  }
0x58: {  	_ =	shalt  }
0x59: {  	_ =	shalt  }
0x5a: {  	_ =	shalt  }
0x5b: {  	_ =	shalt  }
0x5c: {  	_ =	shalt  }
0x5d: {  	_ =	shalt  }
0x5e: {  	_ =	shalt  }
0x5f: {  	_ =	shalt  }
0x60: {  	_ =	shalt  }
0x61: {  	_ =	shalt  }
0x62: {  	_ =	shalt  }
0x63: {  	_ =	shalt  }
0x64: {  	_ =	shalt  }
0x65: {  	_ =	shalt  }
0x66: {  	_ =	shalt  }
0x67: {  	_ =	shalt  }
0x68: {  	_ =	shalt  }
0x69: {  	_ =	shalt  }
0x6a: {  	_ =	shalt  }
0x6b: {  	_ =	shalt  }
0x6c: {  	_ =	shalt  }
0x6d: {  	_ =	shalt  }
0x6e: {  	_ =	shalt  }
0x6f: {  	_ =	shalt  }
0x70: {  	_ =	shalt  }
0x71: {  	_ =	shalt  }
0x72: {  	_ =	shalt  }
0x73: {  	_ =	shalt  }
0x74: {  	_ =	shalt  }
0x75: {  	_ =	shalt  }
0x76: {  	_ =	shalt  }
0x77: {  	_ =	shalt  }
0x78: {  	_ =	shalt  }
0x79: {  	_ =	shalt  }
0x7a: {  	_ =	shalt  }
0x7b: {  	_ =	shalt  }
0x7c: {  	_ =	shalt  }
0x7d: {  	_ =	shalt  }
0x7e: {  	_ =	shalt  }
0x7f: {  	_ =	shalt  }
0x80: {  	_ =	shalt  }
0x81: {  	_ =	shalt  }
0x82: {  	_ =	shalt  }
0x83: {  	_ =	shalt  }
0x84: {  	_ =	shalt  }
0x85: {  	_ =	shalt  }
0x86: {  	_ =	shalt  }
0x87: {  	_ =	shalt  }
.Lfunc_end0:
.L_simem_size_0:
called_computation_lowered:
.L_overlay_start_0:
0x88: {  	s2 =	sld [smem:$0x3FD9]  }
0x89: {  	s3 =	sld [smem:$0x3FFE];
	_ =	sdelay $0x1  }
0x8a: {  	s1 =	srdreg.scid  }
0x8b: {  	s0 =	sand.u32 $0x1, s1  }
0x8c: {  	s17 =	sshll.u32 s0, $0xA;
	s2 =	sadd.s32 s3, s2  }
0x8d: {  	s2 =	sadd.s32 s2, s17  }
0x8e: {  	[smem:$0x3FC4] =	sst s2  }
0x8f: {  	_ = 	snop  }
0x90: {  	s2 =	sld [smem:$0x3FD0];
	(tm) =	ssettm $0x1  }
0x91: {  	s18 =	sld [smem:$0x3FFB];
	_ =	sdelay $0x3  }
0x92: {  	_ =	strace s18  }
0x93: {  	s3 =	sld [smem:$0x3FFC];
	_ =	sdelay $0x3  }
0x94: {  	_ =	strace s3  }
0x95: {  	s3 =	sld [smem:$0x3FFD];
	_ =	sdelay $0x3  }
0x96: {  	_ =	strace s3  }
0x97: {  	_ =	strace $0x8FFFFFFF  }
0x98: {  	s19 =	sld [smem:$0x3FDB];
	_ =	sdelay $0x1  }
0x99: {  	s4 =	simm.s32 $_scs_section_size  }
0x9a: {  	s5 =	simm.s32 $_size__tile_overlayer_lowered;
	s6 =	simm.s32 $_tile_overlayer_lowered  }
0x9b: {  	s22 =	simm.s32 $0x1BFF;
	s21 =	sshll.u32 s6, $0x1;
	s3 =	sadd.s32 s4, s19  }
0x9c: {  	s7 =	simm.s32 $0x0;
	s20 =	sshll.u32 s5, $0x1;
	s5 =	sadd.s32 s21, s3  }
0x9d: {  	[timem:s7], [sflag:s22] =	dma.local [hbm:s5], s20  }
0x9e: {  	_ =	swait.ge [sflag:s22], s20  }
0x9f: {  	s4 =	ssub.s32 $0x0, s20;
	[sflag:s22] =	ssyncset.done $0x0  }
0xa0: {  	[sflag:s22] =	ssyncadd.s32 s4;
	_ =	sdelay $0x1  }
0xa1: {  	s23 =	simm.s32 $0x1B8B  }
0xa2: {  	_ =	swait.ge [sflag:s23], $0x1  }
0xa3: {  	[sflag:s23] =	ssyncset.done $0x0  }
0xa4: {  	s25 =	simm.s32 $0x1B8E;
	s24 =	sld [smem:$0x3FFE];
	[sflag:s23] =	ssyncadd.s32 $0xFFFFFFFF  }
0xa5: {  	s26 =	simm.s32 $execute0_lowered;
	[smem:$0x3FD2] =	sst s25  }
0xa6: {  	s5 =	sshll.u32 s26, $0x1;
	_ =	strace $0x80000046;
	[dreg:$0x1] =	wrdreg $0xFFFFFFFF  }
0xa7: {  	s28 =	simm.s32 $_size_execute0_lowered;
	s3 =	sadd.s32 s3, s5;
	[dreg:$0x0] =	wrdreg $0x0  }
0xa8: {  	s5 =	sshll.u32 s28, $0x1;
	[dreg:$0x2] =	wrdreg s3  }
0xa9: {  	[dreg:$0x3] =	wrdreg s5  }
0xaa: {  	[dreg:$0x4] =	wrdreg $0xC0  }
0xab: {  	_ =	task [dreg:s7], $0x5FFFF  }
0xac: {  	[dreg:$0x1] =	wrdreg $0xFFFFFFFF  }
0xad: {  	[dreg:$0x0] =	wrdreg $0x60  }
0xae: {  	[dreg:$0x2] =	wrdreg s24  }
0xaf: {  	[dreg:$0x3] =	wrdreg s2  }
0xb0: {  	[dreg:$0x4] =	wrdreg $0x6D000  }
0xb1: {  	[dreg:$0x5] =	wrdreg $0x9  }
0xb2: {  	_ =	task.clear_ibuf [dreg:s7], $0x6FFFF;
	_ =	strace $0x90000046  }
0xb3: {  	s29 =	simm.s32 $0x9;
	_ =	strace $0x80000048  }
0xb4: {  	_ =	swait.ge [sflag:s29], $0x1  }
0xb5: {  	[sflag:s29] =	ssyncadd.s32 $0xFFFFFFFF  }
0xb6: {  	_ =	strace $0x90000048  }
0xb7: {  	_ =	sfence  }
0xb8: {  	s30 =	sld [smem:$0x0];
	_ =	sdelay $0x2  }
0xb9: {  	s31 =	sshll.u32 s1, $0xD;
	s1 =	sshrl.u32 s1, $0x2  }
0xba: {  	s3 =	sand.u32 $0x4000, s31;
	s1 =	sadd.s32 s1, s30  }
0xbb: {  	s0 =	sor.u32 s3, s0;
	s1 =	sshll.u32 s1, $0x11  }
0xbc: {  	s0 =	sor.u32 s1, s0  }
0xbd: {  	s0 =	sadd.s32 $0x8F2B, s0  }
0xbe: {  	[sflag:s0] =	ssyncadd.remote.s32 $0x1  }
0xbf: {  	_ =	sfence.sel $0xFFFF  }
0xc0: {  	[dreg:$0x0] =	wrdreg $0xFFFFFFFF;
	(pc) =	sbr.abs _section_cstart, $3  }
0xc1: {  	[dreg:$0x1] =	wrdreg $0xFFFFFFFF  }
0xc2: {  	_ =	task.clear_ibuf [dreg:s7], $0x2FFFF;
	_ =	strace $0x9FFFFFFF  }
0xc3: {  	(tm) =	ssettm $0x7FFFFFFF  }
tec
execute0_lowered:
.L_overlay_start_1:
0x0: {  	(tag) =	ssettag $0x1  }
0x1: {  	s7 =	rddreg [dreg:$0x0]  }
0x2: {  	s2 =	rddreg [dreg:$0x1];
	s1 =	srdreg.scid  }
0x3: {  	s0 =	stileid.u32;
	s3 =	rddreg [dreg:$0x2]  }
0x4: {  	s4 =	simm.s32 $0x0;
	s13 =	simm.s32 $0x5480;
	s14 =	simm.s32 $0x1C00  }
0x5: {  	s15 =	simm.s32 $0x80;
	s8 =	sand.u32 $0x1, s1;
	s1 =	rddreg [dreg:$0x3]  }
0x6: {  	s16 =	simm.s32 $0x0;
	s9 =	smul.u32 $0x1870, s0;
	[smem:$0x7FF] =	sst s4  }
0x7: {  	s5 =	sadd.s32 $0x31600, s7;
	s12 =	sshll.u32 s0, $0x1;
	s6 =	smul.u32 $0x18700, s8  }
0x8: {  	_ =	strace $0x80000047;
	s11 =	ssub.s32 $0x2, s8;
	s8 =	sor.u32 s8, s12  }
0x9: {  	s12 =	simm.s32 $0x1;
	s31 =	sshrl.u32 s11, $0x1;
	s10 =	sadd.s32 s9, s6  }
0xa: {  	s8 =	smul.u32 $0x188, s8;
	s6 =	sadd.s32 $0x600, s7;
	s10 =	sshrl.u32 s10, $0x3  }
0xb: {  	s11 =	ssub.s32 s11, s31;
	s10 =	sadd.s32 s10, s7;
	s7 =	sadd.s32 s9, s3  }
0xc: {  	v0 =	vimm.f32 $0.0e+00;
	s9 =	sadd.s32 $0x62600, s10;
	s10 =	smax.u32 s11, $0x1;
	s11 =	simm.s32 $0x5400  }
.LBB2_1:
0xd: {  	[tilespmem:s11], [sflag:$0x1] =	stream.linear.gather [hbm4b:s2+s4], $0x80, $0x38;
	[tilespmem:$0x8570] =	vst v63  }
0xe: {  	_ =	swait.ge [sflag:s12], $0x80  }
0xf: {  	[sflag:s12] =	ssyncset.done $0x0  }
0x10: {  	s17 =	simm.s32 $0x40;
	s18 =	simm.s32 $0x0;
	[sflag:s12] =	ssyncadd.s32 $0xFFFFFF80  }
.LBB2_2:
0x11: {  	p0 =	sne.s32 s17, $0x6180;
	[tilespmem:s18+$0x5480] =	vst v0;
	s18 =	smov.u32 s17;
	s17 =	sadd.s32 $0x40, s17  }
.Ltmp0:
0x12: {  	(pc) =	sbr.rel @p0 .LBB2_2-.Ltmp0, $2  }
0x13: {  	_ =	sdelay $0x2  }
0x14: {  	s18 =	sshra.s32 s18, $0x2  }
0x15: {  	[tilespmem:s18+$0x5480] =	vst v0  }
0x16: {  	[spmem:s7] =	stream.linear.scatter [tilespmem:s13], [sflag:$0x1], $0x1870, $0x38;
	[tilespmem:$0x8570] =	vst v63  }
0x17: {  	_ =	swait.ge [sflag:s12], $0x1870  }
0x18: {  	[sflag:s12] =	ssyncset.done $0x0  }
0x19: {  	[sflag:s12] =	ssyncadd.s32 $0xFFFFE790  }
0x1a: {  	s17 =	simm.s32 $0x0;
	s18 =	simm.s32 $0x0;
	[bflag:$0x0] =	sbarrier.arrive $0xFFFF  }
.LBB2_4:
0x1b: {  	s19 =	smul.u32 $0x38, s18;
	_ =	sdelay $0x1  }
0x1c: {  	s19 =	sadd.s32 s8, s19  }
0x1d: {  	s19 =	sshll.u32 s19, $0x4  }
0x1e: {  	s20 =	sadd.s32 s5, s19  }
0x1f: {  	[tilespmem:s17], [sflag:$0x1] =	stream.linear.gather [hbm4b:s20+s17], $0x1C00, $0x38;
	[tilespmem:$0x8570] =	vst v63  }
0x20: {  	_ =	swait.ge [sflag:s12], $0x1C00  }
0x21: {  	[sflag:s12] =	ssyncset.done $0x0  }
0x22: {  	s19 =	sadd.s32 s6, s19;
	[sflag:s12] =	ssyncadd.s32 $0xFFFFE400  }
0x23: {  	[tilespmem:s14], [sflag:$0x1] =	stream.linear.gather [hbm4b:s19+s17], $0x1C00, $0x38;
	[tilespmem:$0x8570] =	vst v63  }
0x24: {  	_ =	swait.ge [sflag:s12], $0x1C00  }
0x25: {  	[sflag:s12] =	ssyncset.done $0x0  }
0x26: {  	s29 =	simm.s32 $0x0;
	[sflag:s12] =	ssyncadd.s32 $0xFFFFE400  }
0x27: {  	v1 =	vld [tilespmem:s29+$0x0];
	_ =	sdelay $0x5  }
0x28: {  	v2 =	vld [tilespmem:s29+$0x10];
	_ =	sdelay $0x1  }
0x29: {  	v1 =	vld.idx.msk [tilespmem:v1+s11+$0x0], $0xffff;
	_ =	sdelay $0x3  }
0x2a: {  	v3 =	vld [tilespmem:s29+$0x20]  }
0x2b: {  	[tilespmem:s29+$0x3800] =	vst v1  }
0x2c: {  	v1 =	vld.idx.msk [tilespmem:v2+s11+$0x0], $0xffff;
	_ =	sdelay $0x3  }
0x2d: {  	v2 =	vld [tilespmem:s29+$0x30]  }
0x2e: {  	[tilespmem:s29+$0x3810] =	vst v1  }
0x2f: {  	v1 =	vld.idx.msk [tilespmem:v3+s11+$0x0], $0xffff;
	_ =	sdelay $0x3  }
0x30: {  	v3 =	vld [tilespmem:s29+$0x40]  }
0x31: {  	[tilespmem:s29+$0x3820] =	vst v1  }
0x32: {  	v1 =	vld.idx.msk [tilespmem:v2+s11+$0x0], $0xffff;
	_ =	sdelay $0x3  }
0x33: {  	v2 =	vld [tilespmem:s29+$0x50]  }
0x34: {  	[tilespmem:s29+$0x3830] =	vst v1  }
0x35: {  	v1 =	vld.idx.msk [tilespmem:v3+s11+$0x0], $0xffff;
	_ =	sdelay $0x3  }
0x36: {  	v3 =	vld [tilespmem:s29+$0x60]  }
0x37: {  	[tilespmem:s29+$0x3840] =	vst v1  }
0x38: {  	v1 =	vld.idx.msk [tilespmem:v2+s11+$0x0], $0xffff;
	_ =	sdelay $0x3  }
0x39: {  	v2 =	vld [tilespmem:s29+$0x70]  }
0x3a: {  	[tilespmem:s29+$0x3850] =	vst v1  }
0x3b: {  	v1 =	vld.idx.msk [tilespmem:v3+s11+$0x0], $0xffff;
	_ =	sdelay $0x4  }
0x3c: {  	[tilespmem:s29+$0x3860] =	vst v1  }
0x3d: {  	v1 =	vld.idx.msk [tilespmem:v2+s11+$0x0], $0xffff;
	_ =	sdelay $0x4  }
0x3e: {  	s30 =	simm.s32 $0x3800;
	s31 =	simm.s32 $0x1C00;
	[tilespmem:s29+$0x3870] =	vst v1  }
0x3f: {  	[spmem:s3] =	stream.indirect.scatter.add.f32 [tilespmem:s30], [sflag:$0x1], $0x1, s31, s15, $0xb8;
	[tilespmem:$0x8570] =	vst v63  }
0x40: {  	_ =	swait.ge [sflag:s12], $0x80  }
0x41: {  	s22 =	simm.s32 $0x400;
	s19 =	simm.s32 $0x200;
	[sflag:s12] =	ssyncset.done $0x0  }
.LBB2_5:
0x42: {  	s21 =	sshra.s32 s19, $0x2  }
0x43: {  	[sflag:s12] =	ssyncadd.s32 $0xFFFFFF80;
	s19 =	smov.u32 s22;
	s20 =	sadd.s32 $0x200, s22  }
0x44: {  	p0 =	sne.s32 s22, $0x6E00;
	v1 =	vld [tilespmem:s21+$0x0];
	_ =	sdelay $0x6  }
0x45: {  	v2 =	vld [tilespmem:s21+$0x10]  }
0x46: {  	v1 =	vld.idx.msk [tilespmem:v1+s11+$0x0], $0xffff;
	_ =	sdelay $0x5  }
0x47: {  	[tilespmem:s21+$0x3800] =	vst v1;
	v1 =	vld [tilespmem:s21+$0x20]  }
0x48: {  	v2 =	vld.idx.msk [tilespmem:v2+s11+$0x0], $0xffff;
	_ =	sdelay $0x5  }
0x49: {  	[tilespmem:s21+$0x3810] =	vst v2;
	v2 =	vld [tilespmem:s21+$0x30]  }
0x4a: {  	v1 =	vld.idx.msk [tilespmem:v1+s11+$0x0], $0xffff;
	_ =	sdelay $0x5  }
0x4b: {  	[tilespmem:s21+$0x3820] =	vst v1;
	v1 =	vld [tilespmem:s21+$0x40]  }
0x4c: {  	v2 =	vld.idx.msk [tilespmem:v2+s11+$0x0], $0xffff;
	_ =	sdelay $0x5  }
0x4d: {  	[tilespmem:s21+$0x3830] =	vst v2;
	v2 =	vld [tilespmem:s21+$0x50]  }
0x4e: {  	v1 =	vld.idx.msk [tilespmem:v1+s11+$0x0], $0xffff;
	_ =	sdelay $0x5  }
0x4f: {  	[tilespmem:s21+$0x3840] =	vst v1;
	v1 =	vld [tilespmem:s21+$0x60]  }
0x50: {  	v2 =	vld.idx.msk [tilespmem:v2+s11+$0x0], $0xffff;
	_ =	sdelay $0x5  }
0x51: {  	[tilespmem:s21+$0x3850] =	vst v2;
	v2 =	vld [tilespmem:s21+$0x70]  }
0x52: {  	v1 =	vld.idx.msk [tilespmem:v1+s11+$0x0], $0xffff;
	_ =	sdelay $0x5  }
0x53: {  	[tilespmem:s21+$0x3860] =	vst v1  }
0x54: {  	v1 =	vld.idx.msk [tilespmem:v2+s11+$0x0], $0xffff;
	_ =	sdelay $0x4  }
.Ltmp1:
0x55: {  	(pc) =	sbr.rel @p0 .LBB2_5-.Ltmp1, $4  }
0x56: {  	s22 =	sadd.s32 $0x3800, s21;
	[tilespmem:s21+$0x3870] =	vst v1;
	s21 =	sadd.s32 $0x1C00, s21  }
0x57: {  	[spmem:s3] =	stream.indirect.scatter.add.f32 [tilespmem:s22], [sflag:$0x1], $0x1, s21, s15, $0xb8;
	[tilespmem:$0x8570] =	vst v63  }
0x58: {  	_ =	swait.ge [sflag:s12], $0x80  }
0x59: {  	s22 =	smov.u32 s20;
	[sflag:s12] =	ssyncset.done $0x0  }
0x5a: {  	s19 =	sshra.s32 s19, $0x2;
	[sflag:s12] =	ssyncadd.s32 $0xFFFFFF80  }
0x5b: {  	v1 =	vld [tilespmem:s19+$0x0];
	_ =	sdelay $0x5  }
0x5c: {  	v2 =	vld [tilespmem:s19+$0x10];
	_ =	sdelay $0x1  }
0x5d: {  	v1 =	vld.idx.msk [tilespmem:v1+s11+$0x0], $0xffff;
	_ =	sdelay $0x3  }
0x5e: {  	v3 =	vld [tilespmem:s19+$0x20]  }
0x5f: {  	[tilespmem:s19+$0x3800] =	vst v1  }
0x60: {  	v1 =	vld.idx.msk [tilespmem:v2+s11+$0x0], $0xffff;
	_ =	sdelay $0x3  }
0x61: {  	v2 =	vld [tilespmem:s19+$0x30]  }
0x62: {  	[tilespmem:s19+$0x3810] =	vst v1  }
0x63: {  	v1 =	vld.idx.msk [tilespmem:v3+s11+$0x0], $0xffff;
	_ =	sdelay $0x3  }
0x64: {  	v3 =	vld [tilespmem:s19+$0x40]  }
0x65: {  	[tilespmem:s19+$0x3820] =	vst v1  }
0x66: {  	v1 =	vld.idx.msk [tilespmem:v2+s11+$0x0], $0xffff;
	_ =	sdelay $0x3  }
0x67: {  	v2 =	vld [tilespmem:s19+$0x50]  }
0x68: {  	[tilespmem:s19+$0x3830] =	vst v1  }
0x69: {  	v1 =	vld.idx.msk [tilespmem:v3+s11+$0x0], $0xffff;
	_ =	sdelay $0x3  }
0x6a: {  	v3 =	vld [tilespmem:s19+$0x60]  }
0x6b: {  	[tilespmem:s19+$0x3840] =	vst v1  }
0x6c: {  	v1 =	vld.idx.msk [tilespmem:v2+s11+$0x0], $0xffff;
	_ =	sdelay $0x3  }
0x6d: {  	v2 =	vld [tilespmem:s19+$0x70]  }
0x6e: {  	[tilespmem:s19+$0x3850] =	vst v1  }
0x6f: {  	v1 =	vld.idx.msk [tilespmem:v3+s11+$0x0], $0xffff;
	_ =	sdelay $0x4  }
0x70: {  	[tilespmem:s19+$0x3860] =	vst v1  }
0x71: {  	v1 =	vld.idx.msk [tilespmem:v2+s11+$0x0], $0xffff;
	_ =	sdelay $0x2  }
0x72: {  	s18 =	sadd.s32 $0x1, s18  }
0x73: {  	p0 =	sne.s32 s18, $0x7  }
.Ltmp2:
0x74: {  	s20 =	sadd.s32 $0x3800, s19;
	[tilespmem:s19+$0x3870] =	vst v1;
	s19 =	sadd.s32 $0x1C00, s19;
	(pc) =	sbr.rel @p0 .LBB2_4-.Ltmp2, $4  }
0x75: {  	[spmem:s3] =	stream.indirect.scatter.add.f32 [tilespmem:s20], [sflag:$0x1], $0x1, s19, s15, $0xb8;
	[tilespmem:$0x8570] =	vst v63  }
0x76: {  	_ =	swait.ge [sflag:s12], $0x80  }
0x77: {  	[sflag:s12] =	ssyncset.done $0x0  }
0x78: {  	[sflag:s12] =	ssyncadd.s32 $0xFFFFFF80  }
0x79: {  	[bflag:$0x0] =	sbarrier.arrive $0xFFFF  }
0x7a: {  	[tilespmem:s13], [sflag:$0x1] =	stream.linear.gather [spmem:s7], $0x1870, $0x38;
	[tilespmem:$0x8570] =	vst v63  }
0x7b: {  	s16 =	sadd.s32 $0x1, s16;
	_ =	swait.ge [sflag:s12], $0x1870  }
0x7c: {  	p0 =	sne.s32 s16, s10;
	[sflag:s12] =	ssyncset.done $0x0  }
.Ltmp3:
0x7d: {  	[sflag:s12] =	ssyncadd.s32 $0xFFFFE790;
	(pc) =	sbr.rel @p0 .LBB2_1-.Ltmp3, $4  }
0x7e: {  	[hbm4b:s9+s4] =	stream.linear.scatter [tilespmem:s13], [sflag:$0x1], $0x1870, $0x38;
	[tilespmem:$0x8570] =	vst v63  }
0x7f: {  	_ =	swait.ge [sflag:s12], $0x1870  }
0x80: {  	[sflag:s12] =	ssyncset.done $0x0  }
0x81: {  	[sflag:s12] =	ssyncadd.s32 $0xFFFFE790  }
0x82: {  	_ =	sfence.sel $0x180000  }
0x83: {  	[bflag:$0x0] =	sbarrier.arrive $0xFFFF  }
0x84: {  	p0 =	sne.s32 s0, $0x0;
	_ =	strace $0x90000047  }
0x85: {  	s0 =	sadd.s32 @!p0 $0x100000, s1;
	[bflag:$0x2] =	sbarrier.arrive $0xFFFF  }
0x86: {  	[sflag:s0] =	ssyncadd.tile.s32 @!p0 $0x1;
	_ =	shalt  }
.Lfunc_end2:
_tile_overlayer_lowered:
.L_overlay_start_2:
0x87: {  	(tag) =	ssettag $0x2  }
0x88: {  	s0 =	rddreg [dreg:$0x0];
	s2 =	stileid.u32  }
0x89: {  	s1 =	rddreg [dreg:$0x1];
	p0 =	sne.s32 s2, $0x0  }
0x8a: {  	s3 =	rddreg [dreg:$0x2];
	[bflag:$0x3] =	sbarrier.arrive $0xFFFF;
	s2 =	simm.s32 @!p0 $0x1C01  }
0x8b: {  	[timem:s3], [sflag:s2] =	dma.local @!p0 [hbm:s0], s1  }
0x8c: {  	s0 =	simm.s32 @!p0 $0x1  }
0x8d: {  	_ =	swait.ge @!p0 [sflag:s0], s1  }
0x8e: {  	s1 =	ssub.s32 @!p0 $0x0, s1;
	[sflag:s0] =	ssyncset.done @!p0 $0x0  }
0x8f: {  	[sflag:s0] =	ssyncadd.s32 @!p0 s1  }
0x90: {  	[bflag:$0x3] =	sbarrier.arrive $0xFFFF  }
0x91: {  	_ =	shalt  }

</sc_bundles>
